<compile_context>
chip_gen: v7x
topology: tpu7x:2x2x1
jax: 0.10.2.dev20260603
libtpu: 0.0.44.dev20260713+nightly
codegen_flags: <defaults>
</compile_context>

<pallas_src>
import functools

import jax
import jax.numpy as jnp
import numpy as np
from jax.experimental import pallas as pl
from jax.experimental.pallas import tpu as pltpu

IMG_H, IMG_W = 120, 160
TRUNC = 3
VOXEL = 0.05
DMIN, DMAX = 0.4, 6.0
MAX_INST = 16
FRUSTUM_DIMS = 256.0
N = IMG_H * IMG_W
NREP = 2 * TRUNC + 1
NF = 2 + 32 + MAX_INST + 1
LHS_K = 64

HIGHEST = jax.lax.Precision.HIGHEST


def _feat_repl_matrix():
    R = np.zeros((LHS_K, NREP * NF), np.float32)
    for r in range(NREP):
        base = NF * r
        for c in range(32):
            R[c, base + 2 + c] = 1.0
        for c in range(17):
            R[32 + c, base + 34 + c] = 1.0
        R[49 + r, base + 0] = 1.0
        R[56 + r, base + 1] = 1.0
    return R


def _coord_repl_matrix():
    Rc = np.zeros((8, NREP * 4), np.float32)
    off = np.zeros((1, NREP * 4), np.float32)
    for r in range(NREP):
        for c in range(4):
            Rc[c, 4 * r + c] = 1.0
        off[0, 4 * r + 3] = float(r - TRUNC)
    return Rc, off


_R_FEATS = _feat_repl_matrix()
_R_COORDS, _OFF_COORDS = _coord_repl_matrix()


def _scalar_params(intrinsics):
    def one(intr):
        intr_inv = jnp.linalg.inv(intr)
        xs = jnp.array([0.0, IMG_W, 0.0, IMG_W] * 2, dtype=jnp.float32)
        ys = jnp.array([0.0, 0.0, IMG_H, IMG_H] * 2, dtype=jnp.float32)
        zs = jnp.array([DMIN] * 4 + [DMAX] * 4, dtype=jnp.float32)
        pix = jnp.stack([xs * zs, ys * zs, zs, jnp.ones(8, jnp.float32)], axis=0)
        pts = intr_inv @ pix
        mn = jnp.min(pts[:3], axis=1)
        mx = jnp.max(pts[:3], axis=1)
        dims = jnp.floor((mx - mn) / VOXEL) + 1.0
        pad = jnp.floor((FRUSTUM_DIMS - dims) / 2.0)
        t = -mn / VOXEL
        return jnp.concatenate(
            [intr_inv.reshape(-1), t, pad, jnp.zeros((2,), jnp.float32)])
    return jax.vmap(one)(intrinsics)


def _proj_kernel(sc_ref, loc_ref, rf_ref, rc_ref, offc_ref,
                 depth_ref, feat_ref, mask_ref, coords_ref, feats_ref):
    b = pl.program_id(0)
    j = pl.program_id(1)
    P = feat_ref.shape[2]
    inv_v = 1.0 / VOXEL

    ii = [sc_ref[0, 0, k] for k in range(16)]
    t0, t1, t2 = sc_ref[0, 0, 16], sc_ref[0, 0, 17], sc_ref[0, 0, 18]
    pad0, pad1, pad2 = sc_ref[0, 0, 19], sc_ref[0, 0, 20], sc_ref[0, 0, 21]

    z = depth_ref[0]
    idx = ((j * P) + jax.lax.broadcasted_iota(jnp.int32, (1, P), 1)
           ).astype(jnp.float32)
    y = jnp.floor((idx + 0.5) * (1.0 / IMG_W))
    x = idx - y * IMG_W

    def b2f(v):
        return v.astype(jnp.bfloat16).astype(jnp.float32)

    iib = [b2f(w) for w in ii]
    dpx = b2f(x * z)
    dpy = b2f(y * z)
    zb = b2f(z)

    def dot4(w0, w1, w2, w3):
        return ((w0 * dpx + w1 * dpy) + w2 * zb) + w3

    pc0 = dot4(iib[0], iib[1], iib[2], iib[3])
    pc1 = dot4(iib[4], iib[5], iib[6], iib[7])
    pc2 = dot4(iib[8], iib[9], iib[10], iib[11])
    pc3 = dot4(iib[12], iib[13], iib[14], iib[15])
    inv_vb = b2f(jnp.float32(inv_v))
    pc3b = b2f(pc3)
    gx = inv_vb * b2f(pc0) + b2f(t0) * pc3b
    gy = inv_vb * b2f(pc1) + b2f(t1) * pc3b
    gz = inv_vb * b2f(pc2) + b2f(t2) * pc3b

    frac = gz - gz.astype(jnp.int32).astype(jnp.float32)
    offs = (jax.lax.broadcasted_iota(jnp.int32, (NREP, 1), 0) - TRUNC
            ).astype(jnp.float32)
    v = frac + offs
    sgn = jnp.sign(v)
    av = jnp.abs(v)

    m2 = mask_ref[0]
    locrow = loc_ref[0]
    iota_i = jax.lax.broadcasted_iota(jnp.int32, (MAX_INST + 1, MAX_INST), 1)
    iota_c = jax.lax.broadcasted_iota(jnp.int32, (MAX_INST + 1, MAX_INST), 0)
    eq = (locrow + 1) == iota_c
    win = jnp.max(jnp.where(eq, iota_i, -1), axis=1, keepdims=True)
    S = (iota_i == win).astype(jnp.float32)
    inst = jax.lax.dot(S, m2, precision=HIGHEST)
    label = jnp.sum(m2, axis=0, keepdims=True)
    ch0 = jnp.where(label == 0.0, 1.0, 0.0)
    row_iota = jax.lax.broadcasted_iota(jnp.int32, (MAX_INST + 1, 1), 0)
    inst = jnp.where(row_iota == 0, ch0, inst)

    lhsT = jnp.concatenate(
        [feat_ref[0], inst, sgn, av, jnp.zeros((1, P), jnp.float32)], axis=0)
    feats_ref[:, :] = jax.lax.dot_general(
        lhsT, rf_ref[:, :], (((0,), (0,)), ((), ())), precision=HIGHEST)

    bf = jnp.full((1, P), b, jnp.float32)
    clhsT = jnp.concatenate(
        [bf, gx + pad0, gy + pad1, gz + pad2, jnp.zeros((4, P), jnp.float32)],
        axis=0)
    cf = jax.lax.dot_general(
        clhsT, rc_ref[:, :], (((0,), (0,)), ((), ())),
        precision=HIGHEST) + offc_ref[:, :]
    coords_ref[:, :] = jnp.floor(cf).astype(jnp.int32)


def kernel(depth, features, mask_logits, locations, intrinsics):
    B = depth.shape[0]
    P = 1920
    nb = N // P
    sc = _scalar_params(intrinsics.astype(jnp.float32))
    depth3 = depth.reshape(B, 1, N)
    feat3 = features.reshape(B, 32, N)
    mask3 = mask_logits.reshape(B, MAX_INST, N)

    grid = (B, nb)
    coords2, feats2 = pl.pallas_call(
        _proj_kernel,
        grid=grid,
        in_specs=[
            pl.BlockSpec((1, 1, 24), lambda b, j: (b, 0, 0),
                         memory_space=pltpu.SMEM),
            pl.BlockSpec((1, 1, MAX_INST), lambda b, j: (b, 0, 0)),
            pl.BlockSpec((LHS_K, NREP * NF), lambda b, j: (0, 0)),
            pl.BlockSpec((8, NREP * 4), lambda b, j: (0, 0)),
            pl.BlockSpec((1, NREP * 4), lambda b, j: (0, 0)),
            pl.BlockSpec((1, 1, P), lambda b, j: (b, 0, j)),
            pl.BlockSpec((1, 32, P), lambda b, j: (b, 0, j)),
            pl.BlockSpec((1, MAX_INST, P), lambda b, j: (b, 0, j)),
        ],
        out_specs=[
            pl.BlockSpec((P, NREP * 4), lambda b, j: (b * (N // P) + j, 0)),
            pl.BlockSpec((P, NREP * NF), lambda b, j: (b * (N // P) + j, 0)),
        ],
        out_shape=[
            jax.ShapeDtypeStruct((B * N, NREP * 4), jnp.int32),
            jax.ShapeDtypeStruct((B * N, NREP * NF), jnp.float32),
        ],
    )(sc.reshape(B, 1, 24), locations.astype(jnp.int32).reshape(B, 1, MAX_INST),
      jnp.asarray(_R_FEATS), jnp.asarray(_R_COORDS), jnp.asarray(_OFF_COORDS),
      depth3, feat3, mask3)
    return coords2.reshape(B * N * NREP, 4), feats2.reshape(B * N * NREP, NF)

# --- scband reference (transcript-rebuilt; emitter-appended) ---
"""Pipeline reference for scband-sparse-projection-26121991094502 (READ-ONLY COPY).

The authoritative reference and input builder live on the scoring server;
editing this copy changes nothing except your own understanding.
"""

import jax, jax.numpy as jnp
import numpy as np

IMG_H, IMG_W = 120, 160
TRUNC = 3
VOXEL = 0.05
DMIN, DMAX = 0.4, 6.0
MAX_INST = 16
FRUSTUM_DIMS = 256.0


def _camera2frustum(intr_inv):
    xs = jnp.array([0.0, IMG_W, 0.0, IMG_W, 0.0, IMG_W, 0.0, IMG_W], dtype=jnp.float32)
    ys = jnp.array([0.0, 0.0, IMG_H, IMG_H, 0.0, 0.0, IMG_H, IMG_H], dtype=jnp.float32)
    zs = jnp.array([DMIN] * 4 + [DMAX] * 4, dtype=jnp.float32)
    pix = jnp.stack([xs * zs, ys * zs, zs, jnp.ones(8, dtype=jnp.float32)], axis=0)
    pts = intr_inv @ pix
    mn = jnp.min(pts[:3], axis=1)
    mx = jnp.max(pts[:3], axis=1)
    c2f = jnp.diag(jnp.array([1.0 / VOXEL, 1.0 / VOXEL, 1.0 / VOXEL, 1.0], dtype=jnp.float32))
    c2f = c2f.at[:3, 3].set(-mn / VOXEL)
    return c2f, mn, mx


def _project_sample(depth_map, feat_map, masks, locs, intr):
    intr_inv = jnp.linalg.inv(intr)
    c2f, mn, mx = _camera2frustum(intr_inv)
    ys, xs = jnp.meshgrid(jnp.arange(IMG_H), jnp.arange(IMG_W), indexing='ij')
    ys = ys.reshape(-1)
    xs = xs.reshape(-1)
    z = depth_map.reshape(-1)
    num_rep = 2 * TRUNC + 1
    dp = jnp.stack([xs.astype(jnp.float32) * z, ys.astype(jnp.float32) * z, z, jnp.ones_like(z)], axis=0)
    pc = intr_inv @ dp
    grid = (c2f @ pc).T[:, :3]
    grid = jnp.tile(grid[:, None, :], (1, num_rep, 1))
    offs = jnp.arange(-TRUNC, TRUNC + 1).astype(jnp.float32)
    cz = grid[:, :, 2]
    grid = grid.at[:, :, 2].add(offs[None, :])
    df = cz - cz.astype(jnp.int32).astype(jnp.float32)
    df = df + offs[None, :]
    df = df[:, :, None]
    df = jnp.concatenate([jnp.sign(df), jnp.abs(df)], axis=-1)
    # gather image features at depth pixel locations
    img_feats = feat_map[:, ys, xs].T
    # scatter instance masks into per-channel instance tensor (overwrite scatter)
    n_chan = MAX_INST + 1
    inst_t = jnp.zeros((n_chan, IMG_H, IMG_W), dtype=jnp.float32)
    label = jnp.zeros((IMG_H, IMG_W), dtype=jnp.float32)
    for i in range(MAX_INST):
        pos = locs[i]
        m = masks[i]
        inst_t = inst_t.at[pos + 1].set(m)
        label = label + m
    inst_t = inst_t.at[0].set(jnp.where(label == 0, 1.0, inst_t[0]))
    inst_feats = inst_t[:, ys, xs].T
    samp = jnp.concatenate([img_feats, inst_feats], axis=-1)
    samp = jnp.tile(samp[:, None, :], (1, num_rep, 1))
    samp = jnp.concatenate([df, samp], axis=-1)
    dims = jnp.floor((mx - mn) / VOXEL) + 1.0
    pad = jnp.floor((FRUSTUM_DIMS - dims) / 2.0)
    coords = grid.reshape(-1, 3) + pad[None, :]
    feats = samp.reshape(-1, samp.shape[-1])
    return coords, feats


def setup_inputs(seed: int = 0):
    key = jax.random.key(seed)
    k1, k2, k3, k4 = jax.random.split(key, 4)
    B, C = 2, 32
    depth = jax.random.uniform(k1, (B, 1, IMG_H, IMG_W), minval=DMIN, maxval=DMAX, dtype=jnp.float32)
    features = jax.random.normal(k2, (B, C, IMG_H, IMG_W), dtype=jnp.float32)
    mask_logits = (jax.random.uniform(k3, (B, MAX_INST, IMG_H, IMG_W)) > 0.85).astype(jnp.float32)
    locations = jax.random.randint(k4, (B, MAX_INST), 0, MAX_INST)
    intr = jnp.array([[138.56, 0.0, 80.0, 0.0], [0.0, 138.56, 60.0, 0.0], [0.0, 0.0, 1.0, 0.0], [0.0, 0.0, 0.0, 1.0]], dtype=jnp.float32)
    intrinsics = jnp.tile(intr[None], (B, 1, 1))
    return {"depth": depth, "features": features, "mask_logits": mask_logits, "locations": locations, "intrinsics": intrinsics}


def reference(depth, features, mask_logits, locations, intrinsics):
    B = depth.shape[0]
    all_c, all_f = [], []
    for idx in range(B):
        coords, feats = _project_sample(depth[idx, 0], features[idx], mask_logits[idx], locations[idx], intrinsics[idx])
        bidx = jnp.full((coords.shape[0], 1), idx, dtype=jnp.int32)
        all_c.append(jnp.concatenate([bidx, jnp.floor(coords).astype(jnp.int32)], axis=1))
        all_f.append(feats)
    return jnp.concatenate(all_c, axis=0), jnp.concatenate(all_f, axis=0)

if __name__ == "__main__":
    import jax
    _d = setup_inputs()
    print(jax.jit(kernel)(*tuple(_d.values())))

</pallas_src>

<mosaic_0001>
module attributes {stable_mosaic.version = 14 : i64} {
  func.func @_proj_kernel(%arg0: i32, %arg1: i32, %arg2: memref<1x1x24xf32, #tpu.memory_space<smem>>, %arg3: memref<1x1x16xi32, #tpu.memory_space<vmem>>, %arg4: memref<64x357xf32, #tpu.memory_space<vmem>>, %arg5: memref<8x28xf32, #tpu.memory_space<vmem>>, %arg6: memref<1x28xf32, #tpu.memory_space<vmem>>, %arg7: memref<1x1x1920xf32, #tpu.memory_space<vmem>>, %arg8: memref<1x32x1920xf32, #tpu.memory_space<vmem>>, %arg9: memref<1x16x1920xf32, #tpu.memory_space<vmem>>, %arg10: memref<1920x28xi32, #tpu.memory_space<vmem>>, %arg11: memref<1920x357xf32, #tpu.memory_space<vmem>>) attributes {dimension_semantics = [#tpu.dimension_semantics<arbitrary>, #tpu.dimension_semantics<arbitrary>], iteration_bounds = array<i64: 2, 10>, scalar_prefetch = 0 : i64, scratch_operands = 0 : i64, tpu.core_type = #tpu.core_type<tc>, window_params = [{transform_indices = @transform_0, window_bounds = array<i64: 1, 1, 24>}, {transform_indices = @transform_1, window_bounds = array<i64: 1, 1, 16>}, {pipeline_mode = #tpu.pipeline_mode<synchronous>, transform_indices = @transform_2, window_bounds = array<i64: 64, 357>}, {pipeline_mode = #tpu.pipeline_mode<synchronous>, transform_indices = @transform_3, window_bounds = array<i64: 8, 28>}, {pipeline_mode = #tpu.pipeline_mode<synchronous>, transform_indices = @transform_4, window_bounds = array<i64: 1, 28>}, {transform_indices = @transform_5, window_bounds = array<i64: 1, 1, 1920>}, {transform_indices = @transform_6, window_bounds = array<i64: 1, 32, 1920>}, {transform_indices = @transform_7, window_bounds = array<i64: 1, 16, 1920>}, {transform_indices = @transform_8, window_bounds = array<i64: 1920, 28>}, {transform_indices = @transform_9, window_bounds = array<i64: 1920, 357>}]} {
    %get3A = arith.constant 0 : index
    %get3A_0 = arith.constant 0 : index
    %get3A_1 = arith.constant 0 : index
    %get3A_2 = memref.load %arg2[%get3A, %get3A_0, %get3A_1] : memref<1x1x24xf32, #tpu.memory_space<smem>>
    %get3A_3 = arith.constant 0 : index
    %get3A_4 = arith.constant 0 : index
    %get3A_5 = arith.constant 1 : index
    %get3A_6 = memref.load %arg2[%get3A_3, %get3A_4, %get3A_5] : memref<1x1x24xf32, #tpu.memory_space<smem>>
    %get3A_7 = arith.constant 0 : index
    %get3A_8 = arith.constant 0 : index
    %get3A_9 = arith.constant 2 : index
    %get3A_10 = memref.load %arg2[%get3A_7, %get3A_8, %get3A_9] : memref<1x1x24xf32, #tpu.memory_space<smem>>
    %get3A_11 = arith.constant 0 : index
    %get3A_12 = arith.constant 0 : index
    %get3A_13 = arith.constant 3 : index
    %get3A_14 = memref.load %arg2[%get3A_11, %get3A_12, %get3A_13] : memref<1x1x24xf32, #tpu.memory_space<smem>>
    %get3A_15 = arith.constant 0 : index
    %get3A_16 = arith.constant 0 : index
    %get3A_17 = arith.constant 4 : index
    %get3A_18 = memref.load %arg2[%get3A_15, %get3A_16, %get3A_17] : memref<1x1x24xf32, #tpu.memory_space<smem>>
    %get3A_19 = arith.constant 0 : index
    %get3A_20 = arith.constant 0 : index
    %get3A_21 = arith.constant 5 : index
    %get3A_22 = memref.load %arg2[%get3A_19, %get3A_20, %get3A_21] : memref<1x1x24xf32, #tpu.memory_space<smem>>
    %get3A_23 = arith.constant 0 : index
    %get3A_24 = arith.constant 0 : index
    %get3A_25 = arith.constant 6 : index
    %get3A_26 = memref.load %arg2[%get3A_23, %get3A_24, %get3A_25] : memref<1x1x24xf32, #tpu.memory_space<smem>>
    %get3A_27 = arith.constant 0 : index
    %get3A_28 = arith.constant 0 : index
    %get3A_29 = arith.constant 7 : index
    %get3A_30 = memref.load %arg2[%get3A_27, %get3A_28, %get3A_29] : memref<1x1x24xf32, #tpu.memory_space<smem>>
    %get3A_31 = arith.constant 0 : index
    %get3A_32 = arith.constant 0 : index
    %get3A_33 = arith.constant 8 : index
    %get3A_34 = memref.load %arg2[%get3A_31, %get3A_32, %get3A_33] : memref<1x1x24xf32, #tpu.memory_space<smem>>
    %get3A_35 = arith.constant 0 : index
    %get3A_36 = arith.constant 0 : index
    %get3A_37 = arith.constant 9 : index
    %get3A_38 = memref.load %arg2[%get3A_35, %get3A_36, %get3A_37] : memref<1x1x24xf32, #tpu.memory_space<smem>>
    %get3A_39 = arith.constant 0 : index
    %get3A_40 = arith.constant 0 : index
    %get3A_41 = arith.constant 10 : index
    %get3A_42 = memref.load %arg2[%get3A_39, %get3A_40, %get3A_41] : memref<1x1x24xf32, #tpu.memory_space<smem>>
    %get3A_43 = arith.constant 0 : index
    %get3A_44 = arith.constant 0 : index
    %get3A_45 = arith.constant 11 : index
    %get3A_46 = memref.load %arg2[%get3A_43, %get3A_44, %get3A_45] : memref<1x1x24xf32, #tpu.memory_space<smem>>
    %get3A_47 = arith.constant 0 : index
    %get3A_48 = arith.constant 0 : index
    %get3A_49 = arith.constant 12 : index
    %get3A_50 = memref.load %arg2[%get3A_47, %get3A_48, %get3A_49] : memref<1x1x24xf32, #tpu.memory_space<smem>>
    %get3A_51 = arith.constant 0 : index
    %get3A_52 = arith.constant 0 : index
    %get3A_53 = arith.constant 13 : index
    %get3A_54 = memref.load %arg2[%get3A_51, %get3A_52, %get3A_53] : memref<1x1x24xf32, #tpu.memory_space<smem>>
    %get3A_55 = arith.constant 0 : index
    %get3A_56 = arith.constant 0 : index
    %get3A_57 = arith.constant 14 : index
    %get3A_58 = memref.load %arg2[%get3A_55, %get3A_56, %get3A_57] : memref<1x1x24xf32, #tpu.memory_space<smem>>
    %get3A_59 = arith.constant 0 : index
    %get3A_60 = arith.constant 0 : index
    %get3A_61 = arith.constant 15 : index
    %get3A_62 = memref.load %arg2[%get3A_59, %get3A_60, %get3A_61] : memref<1x1x24xf32, #tpu.memory_space<smem>>
    %get3A_63 = arith.constant 0 : index
    %get3A_64 = arith.constant 0 : index
    %get3A_65 = arith.constant 16 : index
    %get3A_66 = memref.load %arg2[%get3A_63, %get3A_64, %get3A_65] : memref<1x1x24xf32, #tpu.memory_space<smem>>
    %get3A_67 = arith.constant 0 : index
    %get3A_68 = arith.constant 0 : index
    %get3A_69 = arith.constant 17 : index
    %get3A_70 = memref.load %arg2[%get3A_67, %get3A_68, %get3A_69] : memref<1x1x24xf32, #tpu.memory_space<smem>>
    %get3A_71 = arith.constant 0 : index
    %get3A_72 = arith.constant 0 : index
    %get3A_73 = arith.constant 18 : index
    %get3A_74 = memref.load %arg2[%get3A_71, %get3A_72, %get3A_73] : memref<1x1x24xf32, #tpu.memory_space<smem>>
    %get3A_75 = arith.constant 0 : index
    %get3A_76 = arith.constant 0 : index
    %get3A_77 = arith.constant 19 : index
    %get3A_78 = memref.load %arg2[%get3A_75, %get3A_76, %get3A_77] : memref<1x1x24xf32, #tpu.memory_space<smem>>
    %get3A_79 = arith.constant 0 : index
    %get3A_80 = arith.constant 0 : index
    %get3A_81 = arith.constant 20 : index
    %get3A_82 = memref.load %arg2[%get3A_79, %get3A_80, %get3A_81] : memref<1x1x24xf32, #tpu.memory_space<smem>>
    %get3A_83 = arith.constant 0 : index
    %get3A_84 = arith.constant 0 : index
    %get3A_85 = arith.constant 21 : index
    %get3A_86 = memref.load %arg2[%get3A_83, %get3A_84, %get3A_85] : memref<1x1x24xf32, #tpu.memory_space<smem>>
    %get3A_87 = arith.constant 0 : index
    %get3A_88 = arith.constant 0 : index
    %get3A_89 = arith.constant 0 : index
    %get3A_90 = vector.load %arg7[%get3A_87, %get3A_88, %get3A_89] : memref<1x1x1920xf32, #tpu.memory_space<vmem>>, vector<1x1x1920xf32>
    %get3A_91 = vector.shape_cast %get3A_90 : vector<1x1x1920xf32> to vector<1x1920xf32>
    %mul3A = arith.constant 1920 : i32
    %mul3A_92 = arith.muli %arg1, %mul3A : i32
    %iota3A = tpu.iota {dimensions = array<i32: 1>} : vector<1x1920xi32>
    %add3A = vector.broadcast %mul3A_92 : i32 to vector<1x1920xi32>
    %add3A_93 = arith.addi %add3A, %iota3A : vector<1x1920xi32>
    %convert_element_type3A = arith.sitofp %add3A_93 : vector<1x1920xi32> to vector<1x1920xf32>
    %add3A_94 = arith.constant 5.000000e-01 : f32
    %add3A_95 = vector.broadcast %add3A_94 : f32 to vector<1x1920xf32>
    %add3A_96 = arith.addf %convert_element_type3A, %add3A_95 : vector<1x1920xf32>
    %mul3A_97 = arith.constant 6.250000e-03 : f32
    %mul3A_98 = vector.broadcast %mul3A_97 : f32 to vector<1x1920xf32>
    %mul3A_99 = arith.mulf %add3A_96, %mul3A_98 : vector<1x1920xf32>
    %floor3A = math.floor %mul3A_99 : vector<1x1920xf32>
    %mul3A_100 = arith.constant 1.600000e+02 : f32
    %mul3A_101 = vector.broadcast %mul3A_100 : f32 to vector<1x1920xf32>
    %mul3A_102 = arith.mulf %floor3A, %mul3A_101 : vector<1x1920xf32>
    %sub3A = arith.subf %convert_element_type3A, %mul3A_102 : vector<1x1920xf32>
    %convert_element_type3A_103 = arith.truncf %get3A_2 : f32 to bf16
    %convert_element_type3A_104 = arith.extf %convert_element_type3A_103 : bf16 to f32
    %convert_element_type3A_105 = arith.truncf %get3A_6 : f32 to bf16
    %convert_element_type3A_106 = arith.extf %convert_element_type3A_105 : bf16 to f32
    %convert_element_type3A_107 = arith.truncf %get3A_10 : f32 to bf16
    %convert_element_type3A_108 = arith.extf %convert_element_type3A_107 : bf16 to f32
    %convert_element_type3A_109 = arith.truncf %get3A_14 : f32 to bf16
    %convert_element_type3A_110 = arith.extf %convert_element_type3A_109 : bf16 to f32
    %convert_element_type3A_111 = arith.truncf %get3A_18 : f32 to bf16
    %convert_element_type3A_112 = arith.extf %convert_element_type3A_111 : bf16 to f32
    %convert_element_type3A_113 = arith.truncf %get3A_22 : f32 to bf16
    %convert_element_type3A_114 = arith.extf %convert_element_type3A_113 : bf16 to f32
    %convert_element_type3A_115 = arith.truncf %get3A_26 : f32 to bf16
    %convert_element_type3A_116 = arith.extf %convert_element_type3A_115 : bf16 to f32
    %convert_element_type3A_117 = arith.truncf %get3A_30 : f32 to bf16
    %convert_element_type3A_118 = arith.extf %convert_element_type3A_117 : bf16 to f32
    %convert_element_type3A_119 = arith.truncf %get3A_34 : f32 to bf16
    %convert_element_type3A_120 = arith.extf %convert_element_type3A_119 : bf16 to f32
    %convert_element_type3A_121 = arith.truncf %get3A_38 : f32 to bf16
    %convert_element_type3A_122 = arith.extf %convert_element_type3A_121 : bf16 to f32
    %convert_element_type3A_123 = arith.truncf %get3A_42 : f32 to bf16
    %convert_element_type3A_124 = arith.extf %convert_element_type3A_123 : bf16 to f32
    %convert_element_type3A_125 = arith.truncf %get3A_46 : f32 to bf16
    %convert_element_type3A_126 = arith.extf %convert_element_type3A_125 : bf16 to f32
    %convert_element_type3A_127 = arith.truncf %get3A_50 : f32 to bf16
    %convert_element_type3A_128 = arith.extf %convert_element_type3A_127 : bf16 to f32
    %convert_element_type3A_129 = arith.truncf %get3A_54 : f32 to bf16
    %convert_element_type3A_130 = arith.extf %convert_element_type3A_129 : bf16 to f32
    %convert_element_type3A_131 = arith.truncf %get3A_58 : f32 to bf16
    %convert_element_type3A_132 = arith.extf %convert_element_type3A_131 : bf16 to f32
    %convert_element_type3A_133 = arith.truncf %get3A_62 : f32 to bf16
    %convert_element_type3A_134 = arith.extf %convert_element_type3A_133 : bf16 to f32
    %mul3A_135 = arith.mulf %sub3A, %get3A_91 : vector<1x1920xf32>
    %convert_element_type3A_136 = arith.truncf %mul3A_135 : vector<1x1920xf32> to vector<1x1920xbf16>
    %convert_element_type3A_137 = arith.extf %convert_element_type3A_136 : vector<1x1920xbf16> to vector<1x1920xf32>
    %mul3A_138 = arith.mulf %floor3A, %get3A_91 : vector<1x1920xf32>
    %convert_element_type3A_139 = arith.truncf %mul3A_138 : vector<1x1920xf32> to vector<1x1920xbf16>
    %convert_element_type3A_140 = arith.extf %convert_element_type3A_139 : vector<1x1920xbf16> to vector<1x1920xf32>
    %convert_element_type3A_141 = arith.truncf %get3A_91 : vector<1x1920xf32> to vector<1x1920xbf16>
    %convert_element_type3A_142 = arith.extf %convert_element_type3A_141 : vector<1x1920xbf16> to vector<1x1920xf32>
    %mul3A_143 = vector.broadcast %convert_element_type3A_104 : f32 to vector<1x1920xf32>
    %mul3A_144 = arith.mulf %mul3A_143, %convert_element_type3A_137 : vector<1x1920xf32>
    %mul3A_145 = vector.broadcast %convert_element_type3A_106 : f32 to vector<1x1920xf32>
    %mul3A_146 = arith.mulf %mul3A_145, %convert_element_type3A_140 : vector<1x1920xf32>
    %add3A_147 = arith.addf %mul3A_144, %mul3A_146 : vector<1x1920xf32>
    %mul3A_148 = vector.broadcast %convert_element_type3A_108 : f32 to vector<1x1920xf32>
    %mul3A_149 = arith.mulf %mul3A_148, %convert_element_type3A_142 : vector<1x1920xf32>
    %add3A_150 = arith.addf %add3A_147, %mul3A_149 : vector<1x1920xf32>
    %add3A_151 = vector.broadcast %convert_element_type3A_110 : f32 to vector<1x1920xf32>
    %add3A_152 = arith.addf %add3A_150, %add3A_151 : vector<1x1920xf32>
    %mul3A_153 = vector.broadcast %convert_element_type3A_112 : f32 to vector<1x1920xf32>
    %mul3A_154 = arith.mulf %mul3A_153, %convert_element_type3A_137 : vector<1x1920xf32>
    %mul3A_155 = vector.broadcast %convert_element_type3A_114 : f32 to vector<1x1920xf32>
    %mul3A_156 = arith.mulf %mul3A_155, %convert_element_type3A_140 : vector<1x1920xf32>
    %add3A_157 = arith.addf %mul3A_154, %mul3A_156 : vector<1x1920xf32>
    %mul3A_158 = vector.broadcast %convert_element_type3A_116 : f32 to vector<1x1920xf32>
    %mul3A_159 = arith.mulf %mul3A_158, %convert_element_type3A_142 : vector<1x1920xf32>
    %add3A_160 = arith.addf %add3A_157, %mul3A_159 : vector<1x1920xf32>
    %add3A_161 = vector.broadcast %convert_element_type3A_118 : f32 to vector<1x1920xf32>
    %add3A_162 = arith.addf %add3A_160, %add3A_161 : vector<1x1920xf32>
    %mul3A_163 = vector.broadcast %convert_element_type3A_120 : f32 to vector<1x1920xf32>
    %mul3A_164 = arith.mulf %mul3A_163, %convert_element_type3A_137 : vector<1x1920xf32>
    %mul3A_165 = vector.broadcast %convert_element_type3A_122 : f32 to vector<1x1920xf32>
    %mul3A_166 = arith.mulf %mul3A_165, %convert_element_type3A_140 : vector<1x1920xf32>
    %add3A_167 = arith.addf %mul3A_164, %mul3A_166 : vector<1x1920xf32>
    %mul3A_168 = vector.broadcast %convert_element_type3A_124 : f32 to vector<1x1920xf32>
    %mul3A_169 = arith.mulf %mul3A_168, %convert_element_type3A_142 : vector<1x1920xf32>
    %add3A_170 = arith.addf %add3A_167, %mul3A_169 : vector<1x1920xf32>
    %add3A_171 = vector.broadcast %convert_element_type3A_126 : f32 to vector<1x1920xf32>
    %add3A_172 = arith.addf %add3A_170, %add3A_171 : vector<1x1920xf32>
    %mul3A_173 = vector.broadcast %convert_element_type3A_128 : f32 to vector<1x1920xf32>
    %mul3A_174 = arith.mulf %mul3A_173, %convert_element_type3A_137 : vector<1x1920xf32>
    %mul3A_175 = vector.broadcast %convert_element_type3A_130 : f32 to vector<1x1920xf32>
    %mul3A_176 = arith.mulf %mul3A_175, %convert_element_type3A_140 : vector<1x1920xf32>
    %add3A_177 = arith.addf %mul3A_174, %mul3A_176 : vector<1x1920xf32>
    %mul3A_178 = vector.broadcast %convert_element_type3A_132 : f32 to vector<1x1920xf32>
    %mul3A_179 = arith.mulf %mul3A_178, %convert_element_type3A_142 : vector<1x1920xf32>
    %add3A_180 = arith.addf %add3A_177, %mul3A_179 : vector<1x1920xf32>
    %add3A_181 = vector.broadcast %convert_element_type3A_134 : f32 to vector<1x1920xf32>
    %add3A_182 = arith.addf %add3A_180, %add3A_181 : vector<1x1920xf32>
    %convert_element_type3A_183 = arith.truncf %add3A_182 : vector<1x1920xf32> to vector<1x1920xbf16>
    %convert_element_type3A_184 = arith.extf %convert_element_type3A_183 : vector<1x1920xbf16> to vector<1x1920xf32>
    %convert_element_type3A_185 = arith.truncf %add3A_152 : vector<1x1920xf32> to vector<1x1920xbf16>
    %convert_element_type3A_186 = arith.extf %convert_element_type3A_185 : vector<1x1920xbf16> to vector<1x1920xf32>
    %mul3A_187 = arith.constant 2.000000e+01 : f32
    %mul3A_188 = vector.broadcast %mul3A_187 : f32 to vector<1x1920xf32>
    %mul3A_189 = arith.mulf %mul3A_188, %convert_element_type3A_186 : vector<1x1920xf32>
    %convert_element_type3A_190 = arith.truncf %get3A_66 : f32 to bf16
    %convert_element_type3A_191 = arith.extf %convert_element_type3A_190 : bf16 to f32
    %mul3A_192 = vector.broadcast %convert_element_type3A_191 : f32 to vector<1x1920xf32>
    %mul3A_193 = arith.mulf %mul3A_192, %convert_element_type3A_184 : vector<1x1920xf32>
    %add3A_194 = arith.addf %mul3A_189, %mul3A_193 : vector<1x1920xf32>
    %convert_element_type3A_195 = arith.truncf %add3A_162 : vector<1x1920xf32> to vector<1x1920xbf16>
    %convert_element_type3A_196 = arith.extf %convert_element_type3A_195 : vector<1x1920xbf16> to vector<1x1920xf32>
    %mul3A_197 = arith.constant 2.000000e+01 : f32
    %mul3A_198 = vector.broadcast %mul3A_197 : f32 to vector<1x1920xf32>
    %mul3A_199 = arith.mulf %mul3A_198, %convert_element_type3A_196 : vector<1x1920xf32>
    %convert_element_type3A_200 = arith.truncf %get3A_70 : f32 to bf16
    %convert_element_type3A_201 = arith.extf %convert_element_type3A_200 : bf16 to f32
    %mul3A_202 = vector.broadcast %convert_element_type3A_201 : f32 to vector<1x1920xf32>
    %mul3A_203 = arith.mulf %mul3A_202, %convert_element_type3A_184 : vector<1x1920xf32>
    %add3A_204 = arith.addf %mul3A_199, %mul3A_203 : vector<1x1920xf32>
    %convert_element_type3A_205 = arith.truncf %add3A_172 : vector<1x1920xf32> to vector<1x1920xbf16>
    %convert_element_type3A_206 = arith.extf %convert_element_type3A_205 : vector<1x1920xbf16> to vector<1x1920xf32>
    %mul3A_207 = arith.constant 2.000000e+01 : f32
    %mul3A_208 = vector.broadcast %mul3A_207 : f32 to vector<1x1920xf32>
    %mul3A_209 = arith.mulf %mul3A_208, %convert_element_type3A_206 : vector<1x1920xf32>
    %convert_element_type3A_210 = arith.truncf %get3A_74 : f32 to bf16
    %convert_element_type3A_211 = arith.extf %convert_element_type3A_210 : bf16 to f32
    %mul3A_212 = vector.broadcast %convert_element_type3A_211 : f32 to vector<1x1920xf32>
    %mul3A_213 = arith.mulf %mul3A_212, %convert_element_type3A_184 : vector<1x1920xf32>
    %add3A_214 = arith.addf %mul3A_209, %mul3A_213 : vector<1x1920xf32>
    %convert_element_type3A_215 = arith.fptosi %add3A_214 : vector<1x1920xf32> to vector<1x1920xi32>
    %convert_element_type3A_216 = arith.sitofp %convert_element_type3A_215 : vector<1x1920xi32> to vector<1x1920xf32>
    %sub3A_217 = arith.subf %add3A_214, %convert_element_type3A_216 : vector<1x1920xf32>
    %iota3A_218 = tpu.iota {dimensions = array<i32: 0>} : vector<7x1xi32>
    %sub3A_219 = arith.constant 3 : i32
    %sub3A_220 = vector.broadcast %sub3A_219 : i32 to vector<7x1xi32>
    %sub3A_221 = arith.subi %iota3A_218, %sub3A_220 : vector<7x1xi32>
    %convert_element_type3A_222 = arith.sitofp %sub3A_221 : vector<7x1xi32> to vector<7x1xf32>
    %add3A_223 = vector.broadcast %sub3A_217 : vector<1x1920xf32> to vector<7x1920xf32>
    %add3A_224 = vector.broadcast %convert_element_type3A_222 : vector<7x1xf32> to vector<7x1920xf32>
    %add3A_225 = arith.addf %add3A_223, %add3A_224 : vector<7x1920xf32>
    %sign3A = tpu.bitcast %add3A_225 : vector<7x1920xf32> -> vector<7x1920xi32>
    %sign3A_226 = arith.constant -2147483648 : i32
    %sign3A_227 = vector.broadcast %sign3A_226 : i32 to vector<7x1920xi32>
    %sign3A_228 = arith.andi %sign3A, %sign3A_227 : vector<7x1920xi32>
    %sign3A_229 = arith.constant 1065353216 : i32
    %sign3A_230 = vector.broadcast %sign3A_229 : i32 to vector<7x1920xi32>
    %sign3A_231 = arith.ori %sign3A_230, %sign3A_228 : vector<7x1920xi32>
    %sign3A_232 = tpu.bitcast %sign3A_231 : vector<7x1920xi32> -> vector<7x1920xf32>
    %sign3A_233 = math.absf %add3A_225 : vector<7x1920xf32>
    %sign3A_234 = arith.constant 0.000000e+00 : f32
    %sign3A_235 = vector.broadcast %sign3A_234 : f32 to vector<7x1920xf32>
    %sign3A_236 = arith.cmpf ogt, %sign3A_233, %sign3A_235 : vector<7x1920xf32>
    %sign3A_237 = arith.select %sign3A_236, %sign3A_232, %add3A_225 : vector<7x1920xi1>, vector<7x1920xf32>
    %abs3A = math.absf %add3A_225 : vector<7x1920xf32>
    %get3A_238 = arith.constant 0 : index
    %get3A_239 = arith.constant 0 : index
    %get3A_240 = arith.constant 0 : index
    %get3A_241 = vector.load %arg9[%get3A_238, %get3A_239, %get3A_240] : memref<1x16x1920xf32, #tpu.memory_space<vmem>>, vector<1x16x1920xf32>
    %get3A_242 = vector.shape_cast %get3A_241 : vector<1x16x1920xf32> to vector<16x1920xf32>
    %get3A_243 = arith.constant 0 : index
    %get3A_244 = arith.constant 0 : index
    %get3A_245 = arith.constant 0 : index
    %get3A_246 = vector.load %arg3[%get3A_243, %get3A_244, %get3A_245] : memref<1x1x16xi32, #tpu.memory_space<vmem>>, vector<1x1x16xi32>
    %get3A_247 = vector.shape_cast %get3A_246 : vector<1x1x16xi32> to vector<1x16xi32>
    %iota3A_248 = tpu.iota {dimensions = array<i32: 1>} : vector<17x16xi32>
    %iota3A_249 = tpu.iota {dimensions = array<i32: 0>} : vector<17x16xi32>
    %add3A_250 = arith.constant 1 : i32
    %add3A_251 = vector.broadcast %add3A_250 : i32 to vector<1x16xi32>
    %add3A_252 = arith.addi %get3A_247, %add3A_251 : vector<1x16xi32>
    %eq3A = vector.broadcast %add3A_252 : vector<1x16xi32> to vector<17x16xi32>
    %eq3A_253 = arith.cmpi eq, %eq3A, %iota3A_249 : vector<17x16xi32>
    %jit3A = arith.constant -1 : i32
    %broadcast_in_dim3A = vector.broadcast %jit3A : i32 to vector<17x16xi32>
    %select_n3A = arith.select %eq3A_253, %iota3A_248, %broadcast_in_dim3A : vector<17x16xi1>, vector<17x16xi32>
    %reduce_max3A = arith.constant dense<-2147483648> : vector<17xi32>
    %reduce_max3A_254 = vector.multi_reduction <maxsi>, %select_n3A, %reduce_max3A [1] : vector<17x16xi32> to vector<17xi32>
    %broadcast_in_dim3A_255 = vector.shape_cast %reduce_max3A_254 : vector<17xi32> to vector<17x1xi32>
    %eq3A_256 = vector.broadcast %broadcast_in_dim3A_255 : vector<17x1xi32> to vector<17x16xi32>
    %eq3A_257 = arith.cmpi eq, %iota3A_248, %eq3A_256 : vector<17x16xi32>
    %convert_element_type3A_258 = arith.extui %eq3A_257 : vector<17x16xi1> to vector<17x16xi32>
    %convert_element_type3A_259 = arith.sitofp %convert_element_type3A_258 : vector<17x16xi32> to vector<17x16xf32>
    %dot_general3A = arith.constant dense<0.000000e+00> : vector<17x1920xf32>
    %dot_general3A_260 = tpu.matmul %convert_element_type3A_259, %get3A_242, %dot_general3A {dimension_numbers = #tpu.dot_dimension_numbers<[1], [0], [0], [1], [0, 0, 1, 1], [], []>, precision = #tpu.contract_precision<fp32>, transpose_lhs_hint = false} : vector<17x16xf32>, vector<16x1920xf32>, vector<17x1920xf32> -> vector<17x1920xf32>
    %reduce_sum3A = arith.constant dense<0.000000e+00> : vector<1920xf32>
    %reduce_sum3A_261 = vector.multi_reduction <add>, %get3A_242, %reduce_sum3A [0] : vector<16x1920xf32> to vector<1920xf32>
    %broadcast_in_dim3A_262 = vector.shape_cast %reduce_sum3A_261 : vector<1920xf32> to vector<1x1920xf32>
    %eq3A_263 = arith.constant 0.000000e+00 : f32
    %eq3A_264 = vector.broadcast %eq3A_263 : f32 to vector<1x1920xf32>
    %eq3A_265 = arith.cmpf oeq, %broadcast_in_dim3A_262, %eq3A_264 : vector<1x1920xf32>
    %jit3A_266 = arith.constant 1.000000e+00 : f32
    %jit3A_267 = arith.constant 0.000000e+00 : f32
    %broadcast_in_dim3A_268 = vector.broadcast %jit3A_266 : f32 to vector<1x1920xf32>
    %broadcast_in_dim3A_269 = vector.broadcast %jit3A_267 : f32 to vector<1x1920xf32>
    %select_n3A_270 = arith.select %eq3A_265, %broadcast_in_dim3A_268, %broadcast_in_dim3A_269 : vector<1x1920xi1>, vector<1x1920xf32>
    %iota3A_271 = tpu.iota {dimensions = array<i32: 0>} : vector<17x1xi32>
    %eq3A_272 = arith.constant 0 : i32
    %eq3A_273 = vector.broadcast %eq3A_272 : i32 to vector<17x1xi32>
    %eq3A_274 = arith.cmpi eq, %iota3A_271, %eq3A_273 : vector<17x1xi32>
    %broadcast_in_dim3A_275 = vector.shape_cast %eq3A_274 : vector<17x1xi1> to vector<17x1xi1>
    %broadcast_in_dim3A_276 = vector.broadcast %broadcast_in_dim3A_275 : vector<17x1xi1> to vector<17x1920xi1>
    %broadcast_in_dim3A_277 = vector.shape_cast %select_n3A_270 : vector<1x1920xf32> to vector<1x1920xf32>
    %broadcast_in_dim3A_278 = vector.broadcast %broadcast_in_dim3A_277 : vector<1x1920xf32> to vector<17x1920xf32>
    %select_n3A_279 = arith.select %broadcast_in_dim3A_276, %broadcast_in_dim3A_278, %dot_general3A_260 : vector<17x1920xi1>, vector<17x1920xf32>
    %get3A_280 = arith.constant 0 : index
    %get3A_281 = arith.constant 0 : index
    %get3A_282 = arith.constant 0 : index
    %get3A_283 = vector.load %arg8[%get3A_280, %get3A_281, %get3A_282] : memref<1x32x1920xf32, #tpu.memory_space<vmem>>, vector<1x32x1920xf32>
    %get3A_284 = vector.shape_cast %get3A_283 : vector<1x32x1920xf32> to vector<32x1920xf32>
    %broadcast_in_dim3A_285 = arith.constant 0.000000e+00 : f32
    %broadcast_in_dim3A_286 = vector.broadcast %broadcast_in_dim3A_285 : f32 to vector<1x1920xf32>
    %concatenate3A = tpu.concatenate %get3A_284, %select_n3A_279, %sign3A_237, %abs3A, %broadcast_in_dim3A_286 in 0 : vector<32x1920xf32>, vector<17x1920xf32>, vector<7x1920xf32>, vector<7x1920xf32>, vector<1x1920xf32> -> vector<64x1920xf32>
    %get3A_287 = arith.constant 0 : index
    %get3A_288 = arith.constant 0 : index
    %get3A_289 = vector.load %arg4[%get3A_287, %get3A_288] : memref<64x357xf32, #tpu.memory_space<vmem>>, vector<64x357xf32>
    %dot_general3A_290 = arith.constant dense<0.000000e+00> : vector<1920x357xf32>
    %dot_general3A_291 = tpu.matmul %concatenate3A, %get3A_289, %dot_general3A_290 {dimension_numbers = #tpu.dot_dimension_numbers<[0], [0], [1], [1], [0, 1, 1, 1], [], []>, precision = #tpu.contract_precision<fp32>, transpose_lhs_hint = false} : vector<64x1920xf32>, vector<64x357xf32>, vector<1920x357xf32> -> vector<1920x357xf32>
    %swap3A = arith.constant 0 : index
    %swap3A_292 = arith.constant 0 : index
    %swap3A_293 = vector.load %arg11[%swap3A, %swap3A_292] : memref<1920x357xf32, #tpu.memory_space<vmem>>, vector<1920x357xf32>
    tpu.vector_store %arg11[%swap3A, %swap3A_292], %dot_general3A_291 {strides = array<i32>} : memref<1920x357xf32, #tpu.memory_space<vmem>>, vector<1920x357xf32>,
    %convert_element_type3A_294 = arith.sitofp %arg0 : i32 to f32
    %broadcast_in_dim3A_295 = vector.broadcast %convert_element_type3A_294 : f32 to vector<1x1920xf32>
    %add3A_296 = vector.broadcast %get3A_78 : f32 to vector<1x1920xf32>
    %add3A_297 = arith.addf %add3A_194, %add3A_296 : vector<1x1920xf32>
    %add3A_298 = vector.broadcast %get3A_82 : f32 to vector<1x1920xf32>
    %add3A_299 = arith.addf %add3A_204, %add3A_298 : vector<1x1920xf32>
    %add3A_300 = vector.broadcast %get3A_86 : f32 to vector<1x1920xf32>
    %add3A_301 = arith.addf %add3A_214, %add3A_300 : vector<1x1920xf32>
    %broadcast_in_dim3A_302 = arith.constant 0.000000e+00 : f32
    %broadcast_in_dim3A_303 = vector.broadcast %broadcast_in_dim3A_302 : f32 to vector<4x1920xf32>
    %concatenate3A_304 = tpu.concatenate %broadcast_in_dim3A_295, %add3A_297, %add3A_299, %add3A_301, %broadcast_in_dim3A_303 in 0 : vector<1x1920xf32>, vector<1x1920xf32>, vector<1x1920xf32>, vector<1x1920xf32>, vector<4x1920xf32> -> vector<8x1920xf32>
    %get3A_305 = arith.constant 0 : index
    %get3A_306 = arith.constant 0 : index
    %get3A_307 = vector.load %arg5[%get3A_305, %get3A_306] : memref<8x28xf32, #tpu.memory_space<vmem>>, vector<8x28xf32>
    %dot_general3A_308 = arith.constant dense<0.000000e+00> : vector<1920x28xf32>
    %dot_general3A_309 = tpu.matmul %concatenate3A_304, %get3A_307, %dot_general3A_308 {dimension_numbers = #tpu.dot_dimension_numbers<[0], [0], [1], [1], [0, 1, 1, 1], [], []>, precision = #tpu.contract_precision<fp32>, transpose_lhs_hint = false} : vector<8x1920xf32>, vector<8x28xf32>, vector<1920x28xf32> -> vector<1920x28xf32>
    %get3A_310 = arith.constant 0 : index
    %get3A_311 = arith.constant 0 : index
    %get3A_312 = vector.load %arg6[%get3A_310, %get3A_311] : memref<1x28xf32, #tpu.memory_space<vmem>>, vector<1x28xf32>
    %add3A_313 = vector.broadcast %get3A_312 : vector<1x28xf32> to vector<1920x28xf32>
    %add3A_314 = arith.addf %dot_general3A_309, %add3A_313 : vector<1920x28xf32>
    %floor3A_315 = math.floor %add3A_314 : vector<1920x28xf32>
    %convert_element_type3A_316 = arith.fptosi %floor3A_315 : vector<1920x28xf32> to vector<1920x28xi32>
    %swap3A_317 = arith.constant 0 : index
    %swap3A_318 = arith.constant 0 : index
    %swap3A_319 = vector.load %arg10[%swap3A_317, %swap3A_318] : memref<1920x28xi32, #tpu.memory_space<vmem>>, vector<1920x28xi32>
    tpu.vector_store %arg10[%swap3A_317, %swap3A_318], %convert_element_type3A_316 {strides = array<i32>} : memref<1920x28xi32, #tpu.memory_space<vmem>>, vector<1920x28xi32>,
    return
  }
  func.func @transform_0(%arg0: i32, %arg1: i32) -> (i32, i32, i32) {
    %c0_i32 = arith.constant 0 : i32
    %c0_i32_0 = arith.constant 0 : i32
    %c0_i32_1 = arith.constant 0 : i32
    return %arg0, %c0_i32, %c0_i32_0 : i32, i32, i32
  }
  func.func @transform_1(%arg0: i32, %arg1: i32) -> (i32, i32, i32) {
    %c0_i32 = arith.constant 0 : i32
    %c0_i32_0 = arith.constant 0 : i32
    %c0_i32_1 = arith.constant 0 : i32
    return %arg0, %c0_i32, %c0_i32_0 : i32, i32, i32
  }
  func.func @transform_2(%arg0: i32, %arg1: i32) -> (i32, i32) {
    %c0_i32 = arith.constant 0 : i32
    %c0_i32_0 = arith.constant 0 : i32
    %c0_i32_1 = arith.constant 0 : i32
    return %c0_i32, %c0_i32_0 : i32, i32
  }
  func.func @transform_3(%arg0: i32, %arg1: i32) -> (i32, i32) {
    %c0_i32 = arith.constant 0 : i32
    %c0_i32_0 = arith.constant 0 : i32
    %c0_i32_1 = arith.constant 0 : i32
    return %c0_i32, %c0_i32_0 : i32, i32
  }
  func.func @transform_4(%arg0: i32, %arg1: i32) -> (i32, i32) {
    %c0_i32 = arith.constant 0 : i32
    %c0_i32_0 = arith.constant 0 : i32
    %c0_i32_1 = arith.constant 0 : i32
    return %c0_i32, %c0_i32_0 : i32, i32
  }
  func.func @transform_5(%arg0: i32, %arg1: i32) -> (i32, i32, i32) {
    %c0_i32 = arith.constant 0 : i32
    %c0_i32_0 = arith.constant 0 : i32
    return %arg0, %c0_i32, %arg1 : i32, i32, i32
  }
  func.func @transform_6(%arg0: i32, %arg1: i32) -> (i32, i32, i32) {
    %c0_i32 = arith.constant 0 : i32
    %c0_i32_0 = arith.constant 0 : i32
    return %arg0, %c0_i32, %arg1 : i32, i32, i32
  }
  func.func @transform_7(%arg0: i32, %arg1: i32) -> (i32, i32, i32) {
    %c0_i32 = arith.constant 0 : i32
    %c0_i32_0 = arith.constant 0 : i32
    return %arg0, %c0_i32, %arg1 : i32, i32, i32
  }
  func.func @transform_8(%arg0: i32, %arg1: i32) -> (i32, i32) {
    %mul3A = arith.constant 10 : i32
    %mul3A_0 = arith.muli %arg0, %mul3A : i32
    %add3A = arith.addi %mul3A_0, %arg1 : i32
    %c0_i32 = arith.constant 0 : i32
    %c0_i32_1 = arith.constant 0 : i32
    return %add3A, %c0_i32 : i32, i32
  }
  func.func @transform_9(%arg0: i32, %arg1: i32) -> (i32, i32) {
    %mul3A = arith.constant 10 : i32
    %mul3A_0 = arith.muli %arg0, %mul3A : i32
    %add3A = arith.addi %mul3A_0, %arg1 : i32
    %c0_i32 = arith.constant 0 : i32
    %c0_i32_1 = arith.constant 0 : i32
    return %add3A, %c0_i32 : i32, i32
  }
}

</mosaic_0001>

<sc_bundles>
// kernel: sparse-core-data-format-call.cloned.1.call-start
scs
called_computation_lowered:
.L_overlay_start_0:
0x0: {  	s2 =	sld [smem:$0x3FD9]  }
0x1: {  	s3 =	sld [smem:$0x3FFE];
	_ =	sdelay $0x1  }
0x2: {  	s1 =	srdreg.scid  }
0x3: {  	s0 =	sand.u32 $0x1, s1  }
0x4: {  	s15 =	sshll.u32 s0, $0xA;
	s2 =	sadd.s32 s3, s2  }
0x5: {  	s2 =	sadd.s32 s2, s15  }
0x6: {  	[smem:$0x3FC3] =	sst s2  }
0x7: {  	_ = 	snop  }
0x8: {  	s2 =	sld [smem:$0x3FD0];
	_ =	sdelay $0x2  }
0x9: {  	s16 =	simm.s32 $0xA;
	s4 =	simm.s32 $0x10  }
0xa: {  	[smem:s4], [sflag:s16] =	dma.local [hbm:s2], $0x1  }
0xb: {  	_ =	swait.eq [sflag:s16], $0x1  }
0xc: {  	[sflag:s16] =	ssyncset.done $0x0  }
0xd: {  	[sflag:s16] =	ssyncadd.s32 $0xFFFFFFFF  }
0xe: {  	s17 =	sld [smem:$0x11];
	(tm) =	ssettm $0x1  }
0xf: {  	s18 =	sld [smem:$0x3FFB];
	_ =	sdelay $0x3  }
0x10: {  	_ =	strace s18  }
0x11: {  	s3 =	sld [smem:$0x3FFC];
	_ =	sdelay $0x3  }
0x12: {  	_ =	strace s3  }
0x13: {  	s3 =	sld [smem:$0x3FFD];
	_ =	sdelay $0x3  }
0x14: {  	_ =	strace s3  }
0x15: {  	_ =	strace $0x8FFFFFFF  }
0x16: {  	s19 =	sld [smem:$0x3FDB];
	_ =	sdelay $0x1  }
0x17: {  	s20 =	simm.s32 $_scs_section_size  }
0x18: {  	s5 =	simm.s32 $_size__tile_overlayer_lowered;
	s6 =	simm.s32 $_tile_overlayer_lowered  }
0x19: {  	s23 =	simm.s32 $0x1BFF;
	s22 =	sshll.u32 s6, $0x1;
	s3 =	sadd.s32 s20, s19  }
0x1a: {  	s7 =	simm.s32 $0x0;
	s21 =	sshll.u32 s5, $0x1;
	s5 =	sadd.s32 s22, s3  }
0x1b: {  	[timem:s7], [sflag:s23] =	dma.local [hbm:s5], s21  }
0x1c: {  	_ =	swait.ge [sflag:s23], s21  }
0x1d: {  	s4 =	ssub.s32 $0x0, s21;
	[sflag:s23] =	ssyncset.done $0x0  }
0x1e: {  	[sflag:s23] =	ssyncadd.s32 s4;
	_ =	sdelay $0x1  }
0x1f: {  	s24 =	simm.s32 $0x1B8B  }
0x20: {  	_ =	swait.ge [sflag:s24], $0x1  }
0x21: {  	[sflag:s24] =	ssyncset.done $0x0  }
0x22: {  	s26 =	simm.s32 $0x1B8E;
	s25 =	sld [smem:$0x3FFE];
	[sflag:s24] =	ssyncadd.s32 $0xFFFFFFFF  }
0x23: {  	s27 =	simm.s32 $execute0_lowered;
	[smem:$0x3FD2] =	sst s26  }
0x24: {  	s5 =	sshll.u32 s27, $0x1;
	_ =	strace $0x80000046;
	[dreg:$0x1] =	wrdreg $0xFFFFFFFF  }
0x25: {  	s28 =	simm.s32 $_size_execute0_lowered;
	s3 =	sadd.s32 s3, s5;
	[dreg:$0x0] =	wrdreg $0x0  }
0x26: {  	s5 =	sshll.u32 s28, $0x1;
	[dreg:$0x2] =	wrdreg s3  }
0x27: {  	[dreg:$0x3] =	wrdreg s5  }
0x28: {  	[dreg:$0x4] =	wrdreg $0xC0  }
0x29: {  	_ =	task [dreg:s7], $0x5FFFF  }
0x2a: {  	[dreg:$0x1] =	wrdreg $0xFFFFFFFF  }
0x2b: {  	[dreg:$0x0] =	wrdreg $0x60  }
0x2c: {  	[dreg:$0x2] =	wrdreg s25  }
0x2d: {  	[dreg:$0x3] =	wrdreg s17  }
0x2e: {  	[dreg:$0x4] =	wrdreg $0x9  }
0x2f: {  	_ =	task.clear_ibuf [dreg:s7], $0x5FFFF;
	_ =	strace $0x90000046  }
0x30: {  	s29 =	simm.s32 $0x9;
	_ =	strace $0x80000048  }
0x31: {  	_ =	swait.ge [sflag:s29], $0x1  }
0x32: {  	[sflag:s29] =	ssyncadd.s32 $0xFFFFFFFF  }
0x33: {  	_ =	strace $0x90000048  }
0x34: {  	_ =	sfence  }
0x35: {  	s30 =	sld [smem:$0x0];
	_ =	sdelay $0x2  }
0x36: {  	s31 =	sshll.u32 s1, $0xD;
	s1 =	sshrl.u32 s1, $0x2  }
0x37: {  	s3 =	sand.u32 $0x4000, s31;
	s1 =	sadd.s32 s1, s30  }
0x38: {  	s0 =	sor.u32 s3, s0;
	s1 =	sshll.u32 s1, $0x11  }
0x39: {  	s0 =	sor.u32 s1, s0  }
0x3a: {  	s0 =	sadd.s32 $0x8F2B, s0  }
0x3b: {  	[sflag:s0] =	ssyncadd.remote.s32 $0x1  }
0x3c: {  	_ =	sfence.sel $0xFFFF  }
0x3d: {  	[dreg:$0x0] =	wrdreg $0xFFFFFFFF;
	(pc) =	sbr.abs _section_cstart, $3  }
0x3e: {  	[dreg:$0x1] =	wrdreg $0xFFFFFFFF  }
0x3f: {  	_ =	task.clear_ibuf [dreg:s7], $0x2FFFF;
	_ =	strace $0x9FFFFFFF  }
0x40: {  	(tm) =	ssettm $0x7FFFFFFF  }
0x41: {  	_ =	shalt  }
tec
execute0_lowered:
.L_overlay_start_1:
0x0: {  	(tag) =	ssettag $0x1  }
0x1: {  	s0 =	srdreg.scid  }
0x2: {  	s5 =	rddreg [dreg:$0x0];
	s1 =	sshll.u32 s0, $0x4  }
0x3: {  	s2 =	rddreg [dreg:$0x1];
	s0 =	stileid.u32;
	s1 =	sand.u32 $0x10, s1  }
0x4: {  	s4 =	simm.s32 $0x1;
	s8 =	simm.s32 $0x2;
	s1 =	sor.u32 s0, s1  }
0x5: {  	s12 =	simm.s32 $0x0;
	s9 =	simm.s32 $0x0;
	s3 =	sshll.u32 s1, $0x7  }
0x6: {  	s11 =	simm.s32 $0x0;
	s5 =	sadd.s32 $0x97600, s5;
	s6 =	ssub.s32 $0x41A00, s3  }
.Ltmp0:
0x7: {  	s1 =	rddreg [dreg:$0x2];
	s7 =	sand.u32 $0xF80, s6;
	(pc) =	sbr.rel .LBB1_1-.Ltmp0, $4  }
0x8: {  	_ =	strace $0x80000047;
	p0 =	sne.s32 s7, $0x0;
	s7 =	simm.s32 $0x1  }
0x9: {  	[sflag:s4] =	ssyncpa.u1 $0x0;
	s6 =	sshrl.u32 s6, $0xC;
	s7 =	simm.s32 @!p0 $0x0  }
0xa: {  	s10 =	smov.u32 s3;
	[sflag:s8] =	ssyncpa.u1 $0x0;
	s6 =	sadd.s32 s7, s6  }
0xb: {  	s8 =	simm.s32 $0x20D000;
	p0 =	por $0x0, $0x0;
	s7 =	sadd.s32 $0x1, s6  }
.LBB1_4:
0xc: {  	s15 =	sshll.u32 s9, $0x3  }
0xd: {  	s16 =	sand.u32 $0x7F, s9;
	s15 =	sand.u32 $0xFFFFFC00, s15  }
0xe: {  	s16 =	sor.u32 s16, s15;
	s15 =	smulhi.u32 $0xF9A9342D, s15;
	_ =	sdelay $0x1  }
0xf: {  	s17 =	smulhi.u32 $0xF9A9342D, s16;
	s15 =	sshrl.u32 s15, $0x12  }
0x10: {  	p1 =	sgt.s32 s9, $0x41980;
	s19 =	smov.u32 s9;
	s18 =	smul.u32 $0x4925, s15  }
0x11: {  	s20 =	sshra.s32 s9, $0x1F;
	s19 =	simm.s32 @!p1 $0x41980;
	s17 =	sshrl.u32 s17, $0x12  }
0x12: {  	s20 =	sand.u32 s20, s9;
	s17 =	smul.u32 $0x41A00, s17;
	s18 =	sshrl.u32 s18, $0x14  }
0x13: {  	s27 =	ssub.s32 s19, s20;
	s18 =	smul.u32 $0x38, s18  }
0x14: {  	s28 =	sadd.s32 $0xFFFBE680, s27  }
0x15: {  	s16 =	ssub.s32 s16, s17;
	s17 =	ssub.s32 $0x41A00, s27;
	s15 =	ssub.s32 s15, s18  }
0x16: {  	p1 =	sgt.s32 s28, $0x7F;
	s17 =	smul.u32 $0xE0, s17;
	s15 =	sand.u32 $0xFFFF, s15  }
0x17: {  	[tilespmem:s14+$0x810 ss:$0x81] =	vst.msk $0xffff, v2;
	s29 =	sshrl.u32 s16, $0x3;
	s16 =	sand.u32 $0x7, s16;
	s15 =	smul.u32 $0x8340, s15  }
0x18: {  	[tilespmem:s14+$0x1020 ss:$0x81] =	vst.msk $0xffff, v0;
	s18 =	sadd.s32 s2, s29;
	s16 =	sshll.u32 s16, $0x12;
	s17 =	sshrl.u32 s17, $0x2  }
0x19: {  	[tilespmem:s14+$0x0 ss:$0x81] =	vst.msk $0xffff, v1;
	s31 =	sor.u32 $0x400, s16;
	s17 =	simm.s32 @p1 $0x0;
	s30 =	sadd.s32 s15, s18  }
0x1a: {  	[hbm4b:s30+s31] =	stream.strided.scatter [tilespmem:s13], [sflag:$0x2], s17, s8, s31, $0x20;
	[tilespmem:$0x8080] =	vst v63  }
.LBB1_5:
0x1b: {  	p1 =	slt.u32 s11, $0x2  }
0x1c: {  	p2 =	sgt.s32 @!p1 s12, $0x41980  }
0x1d: {  	s13 =	smov.u32 s12;
	s14 =	sshra.s32 @!p1 s12, $0x1F;
	p2 =	por !p2, p1  }
0x1e: {  	s12 =	sand.u32 @!p1 s14, s12;
	s13 =	simm.s32 @p2 $0x41980  }
0x1f: {  	s12 =	ssub.s32 @!p1 s13, s12  }
0x20: {  	s13 =	ssub.s32 @!p1 $0x41A00, s12  }
0x21: {  	s12 =	sadd.s32 @!p1 $0xFFFBE680, s12;
	s13 =	smul.u32 @!p1 $0xE0, s13  }
0x22: {  	p2 =	sgt.s32 @!p1 s12, $0x7F  }
0x23: {  	s14 =	sadd.s32 $0x1000, s10;
	p2 =	por !p2, p1;
	s12 =	sshrl.u32 @!p1 s13, $0x2  }
0x24: {  	s12 =	simm.s32 @!p2 $0x0;
	p2 =	sgt.s32 s14, $0x419FF  }
0x25: {  	s14 =	smov.u32 @p2 s3;
	p2 =	sne.s32 s11, s7  }
.Ltmp1:
0x26: {  	_ = 	snop;
	(pc) =	sbr.rel @!p2 .LBB1_6-.Ltmp1, $4  }
0x27: {  	s13 =	simm.s32 @!p1 $0x2  }
0x28: {  	p0 =	por !p0, !p0;
	_ =	swait.ge @!p1 [sflag:s13], s12;
	s15 =	ssub.s32 @!p1 $0x0, s12  }
0x29: {  	s12 =	smov.u32 s9;
	s11 =	sadd.s32 $0x1, s11;
	[sflag:s13] =	ssyncset.done @!p1 $0x0  }
0x2a: {  	s9 =	smov.u32 s10;
	s10 =	smov.u32 s14;
	[sflag:s13] =	ssyncadd.s32 @!p1 s15  }
.LBB1_1:
0x2b: {  	p1 =	sge.u32 s11, s6  }
0x2c: {  	s13 =	sand.u32 @!p1 $0x1FFFFFF, s10  }
0x2d: {  	s14 =	smulhi.u32 @!p1 $0x1F35269, s13;
	_ =	sdelay $0x1  }
0x2e: {  	s14 =	sshrl.u32 @!p1 s14, $0xB  }
0x2f: {  	s14 =	smul.u32 @!p1 $0x41A00, s14;
	_ =	sdelay $0x1  }
0x30: {  	s31 =	sadd.s32 $0xFFFFFFFF, s11;
	s15 =	sxor.u32 @!p1 $0xFFFFFFFF, s11;
	s13 =	ssub.s32 @!p1 s13, s14  }
0x31: {  	s16 =	simm.s32 @!p1 $0x80;
	s15 =	sshll.u32 @!p1 s15, $0xD;
	s13 =	sshll.u32 @!p1 s13, $0x4  }
0x32: {  	s14 =	sand.u32 @!p1 $0x2000, s15;
	s15 =	simm.s32 @!p1 $0x40;
	s13 =	sadd.s32 @!p1 s5, s13  }
0x33: {  	[tilespmem:s14], [sflag:$0x1] =	stream.strided.gather @!p1 [hbm4b:s13+s15], $0x2000, s16, s15, $0x38;
	[tilespmem:$0x8080] =	vst v63  }
0x34: {  	p1 =	sge.u32 s31, s6  }
.Ltmp2:
0x35: {  	_ = 	snop;
	(pc) =	sbr.rel @p1 .LBB1_5-.Ltmp2, $1  }
0x36: {  	_ =	sdelay $0x3  }
0x37: {  	s13 =	simm.s32 $0x1  }
0x38: {  	_ =	swait.ge [sflag:s4], $0x2000;
	s13 =	simm.s32 @!p0 $0x0  }
0x39: {  	[sflag:s4] =	ssyncset.done $0x0;
	s14 =	sshll.u32 s13, $0xD  }
0x3a: {  	[sflag:s4] =	ssyncadd.s32 $0xFFFFE000;
	s17 =	sor.u32 $0x20, s14  }
0x3b: {  	s13 =	smul.u32 $0x8100, s13;
	v3 =	vld [tilespmem:s17+$0x10]  }
0x3c: {  	s30 =	sand.u32 $0x1, s11;
	v2 =	vld [tilespmem:s17+$0xFFFFFFF0]  }
0x3d: {  	s14 =	smul.u32 $0x8100, s30;
	s13 =	sshrl.u32 s13, $0x2;
	v0 =	vld [tilespmem:s17+$0x0]  }
0x3e: {  	v1 =	vld [tilespmem:s17+$0xFFFFFFE0];
	s15 =	sor.u32 $0x4000, s13  }
0x3f: {  	s31 =	sshrl.u32 s14, $0x2;
	s14 =	sadd.s32 $0x0, s15  }
0x40: {  	s16 =	simm.s32 $0x4;
	s17 =	sadd.s32 $0x40, s17;
	s13 =	sor.u32 $0x4000, s31;
	[tilespmem:s14+$0x1830 ss:$0x81] =	vst.msk $0xffff, v3  }
.LBB1_3:
0x41: {  	v3 =	vld [tilespmem:s17+$0x10];
	p1 =	sne.s32 s16, $0x1FC;
	[tilespmem:s14+$0x810 ss:$0x81] =	vst.msk $0xffff, v2;
	s18 =	smov.u32 s16;
	s16 =	sadd.s32 $0x4, s16  }
.Ltmp3:
0x42: {  	v2 =	vld [tilespmem:s17+$0xFFFFFFF0];
	[tilespmem:s14+$0x1020 ss:$0x81] =	vst.msk $0xffff, v0;
	(pc) =	sbr.rel @p1 .LBB1_3-.Ltmp3, $4  }
0x43: {  	v0 =	vld [tilespmem:s17+$0x0];
	[tilespmem:s14+$0x0 ss:$0x81] =	vst.msk $0xffff, v1  }
0x44: {  	s14 =	sshra.s32 s18, $0x2;
	v1 =	vld [tilespmem:s17+$0xFFFFFFE0]  }
0x45: {  	s14 =	sadd.s32 s14, s15  }
0x46: {  	s17 =	sadd.s32 $0x40, s17;
	[tilespmem:s14+$0x1830 ss:$0x81] =	vst.msk $0xffff, v3  }
.Ltmp4:
0x47: {  	_ = 	snop;
	(pc) =	sbr.rel .LBB1_4-.Ltmp4, $1  }
0x48: {  	_ =	sdelay $0x3  }
.LBB1_6:
0x49: {  	_ =	sfence.sel $0x180000  }
0x4a: {  	s2 =	simm.s32 $0x1;
	[bflag:$0x0] =	sbarrier.arrive $0xFFFF  }
0x4b: {  	s31 =	simm.s32 $0x2;
	[sflag:s2] =	ssyncpa.u1 $0x1  }
0x4c: {  	[sflag:s31] =	ssyncpa.u1 $0x1  }
0x4d: {  	p0 =	sne.s32 s0, $0x0;
	_ =	strace $0x90000047  }
0x4e: {  	s0 =	sadd.s32 @!p0 $0x100000, s1;
	[bflag:$0x2] =	sbarrier.arrive $0xFFFF  }
0x4f: {  	[sflag:s0] =	ssyncadd.tile.s32 @!p0 $0x1;
	_ =	shalt  }
.Lfunc_end1:
_tile_overlayer_lowered:
.L_overlay_start_2:
0x50: {  	(tag) =	ssettag $0x2  }
0x51: {  	s0 =	rddreg [dreg:$0x0];
	s2 =	stileid.u32  }
0x52: {  	s1 =	rddreg [dreg:$0x1];
	p0 =	sne.s32 s2, $0x0  }
0x53: {  	s3 =	rddreg [dreg:$0x2];
	[bflag:$0x3] =	sbarrier.arrive $0xFFFF;
	s2 =	simm.s32 @!p0 $0x1C01  }
0x54: {  	[timem:s3], [sflag:s2] =	dma.local @!p0 [hbm:s0], s1  }
0x55: {  	s0 =	simm.s32 @!p0 $0x1  }
0x56: {  	_ =	swait.ge @!p0 [sflag:s0], s1  }
0x57: {  	s1 =	ssub.s32 @!p0 $0x0, s1;
	[sflag:s0] =	ssyncset.done @!p0 $0x0  }
0x58: {  	[sflag:s0] =	ssyncadd.s32 @!p0 s1  }
0x59: {  	[bflag:$0x3] =	sbarrier.arrive $0xFFFF  }
0x5a: {  	_ =	shalt  }

</sc_bundles>
